<compile_context>
chip_gen: v7x
topology: tpu7x:2x2x1
jax: 0.10.2.dev20260603
libtpu: 0.0.44.dev20260713+nightly
codegen_flags: <defaults>
</compile_context>

<pallas_src>
import functools

import jax
import jax.numpy as jnp
from jax import lax
from jax.experimental import pallas as pl
from jax.experimental.pallas import tpu as pltpu
from jax.experimental.pallas import tpu_sc as plsc

SEQ_LEN = 512
HIDDEN = 768
EPS = 1e-12
NUM_WORKERS = 32
BPW = SEQ_LEN // NUM_WORKERS
ROW_BLOCK = 256


def _gather_body(x_hbm, word_hbm, out_hbm, idx_v, rows_v, sem):
    wid = lax.axis_index("s") * 2 + lax.axis_index("c")
    base = wid * BPW
    pltpu.sync_copy(x_hbm.at[pl.ds(base, BPW)], idx_v)
    pltpu.async_copy(word_hbm.at[idx_v], rows_v, sem).wait()
    pltpu.sync_copy(rows_v, out_hbm.at[pl.ds(base, BPW)])


def _ln_body(we_ref, pos_ref, te_ref, gam_ref, bet_ref, o_ref):
    v = we_ref[...] + pos_ref[...] + te_ref[0:1]
    m = jnp.mean(v, axis=-1, keepdims=True)
    c = v - m
    var = jnp.mean(c * c, axis=-1, keepdims=True)
    o_ref[...] = c * lax.rsqrt(var + EPS) * gam_ref[...][None] + bet_ref[...][None]


@jax.jit
def _run(x, word_emb, token_emb, pos_emb, gamma, beta):
    mesh = plsc.VectorSubcoreMesh(core_axis_name="c", subcore_axis_name="s")
    we = pl.kernel(
        _gather_body,
        out_type=jax.ShapeDtypeStruct((SEQ_LEN, HIDDEN), jnp.float32),
        mesh=mesh,
        compiler_params=pltpu.CompilerParams(needs_layout_passes=False),
        scratch_types=[
            pltpu.VMEM((BPW,), jnp.int32),
            pltpu.VMEM((BPW, HIDDEN), jnp.float32),
            pltpu.SemaphoreType.DMA,
        ],
    )(x, word_emb)

    row_spec = pl.BlockSpec((ROW_BLOCK, HIDDEN), lambda i: (i, 0))
    row0_spec = pl.BlockSpec((2, HIDDEN), lambda i: (0, 0))
    vec_spec = pl.BlockSpec((HIDDEN,), lambda i: (0,))
    return pl.pallas_call(
        _ln_body,
        grid=(SEQ_LEN // ROW_BLOCK,),
        in_specs=[row_spec, row_spec, row0_spec, vec_spec, vec_spec],
        out_specs=row_spec,
        out_shape=jax.ShapeDtypeStruct((SEQ_LEN, HIDDEN), jnp.float32),
    )(we, pos_emb, token_emb, gamma, beta)


def kernel(x, word_emb, token_emb, pos_emb, gamma, beta):
    return _run(x.astype(jnp.int32), word_emb, token_emb, pos_emb, gamma, beta)

# --- scband reference (transcript-rebuilt; emitter-appended) ---
"""Pipeline reference for scband-bert-embeding-29059748725232 (READ-ONLY COPY).

The authoritative reference and input builder live on the scoring server;
editing this copy changes nothing except your own understanding.
"""

import jax, jax.numpy as jnp
import numpy as np

VOCAB = 100000
TYPE_VOCAB = 2
MAXPOS = 512
HIDDEN = 768
EPS = 1e-12
PAD_TOKEN_ID = 0
SEQ_LEN = 512


def setup_inputs(seed: int = 0) -> dict:
    key = jax.random.key(seed)
    k1, k2, k3, k4 = jax.random.split(key, 4)
    x = jax.random.randint(k1, (SEQ_LEN,), 0, VOCAB)
    word_emb = jax.random.normal(k2, (VOCAB, HIDDEN), dtype=jnp.float32) * 0.02
    # padding_idx row is initialized to zeros in nn.Embedding
    word_emb = word_emb.at[PAD_TOKEN_ID].set(0.0)
    token_emb = jax.random.normal(k3, (TYPE_VOCAB, HIDDEN), dtype=jnp.float32) * 0.02
    pos_emb = jax.random.normal(k4, (MAXPOS, HIDDEN), dtype=jnp.float32) * 0.02
    gamma = jnp.ones((HIDDEN,), dtype=jnp.float32)
    beta = jnp.zeros((HIDDEN,), dtype=jnp.float32)
    return {"x": x, "word_emb": word_emb, "token_emb": token_emb, "pos_emb": pos_emb, "gamma": gamma, "beta": beta}


def reference(x, word_emb, token_emb, pos_emb, gamma, beta):
    # truncate to max_position_embeddings (faithful to the torch forward)
    x = x[:MAXPOS]
    L = x.shape[0]
    # position_ids: filled with MAXPOS-1, first L positions are arange(L)
    position_ids = jnp.full((MAXPOS,), MAXPOS - 1, dtype=jnp.int32)
    position_ids = position_ids.at[:L].set(jnp.arange(L, dtype=jnp.int32))
    we = jnp.take(word_emb, x, axis=0)
    pe = jnp.take(pos_emb, position_ids, axis=0)[:L]
    te = jnp.take(token_emb, jnp.zeros((L,), dtype=jnp.int32), axis=0)
    embeding = we + pe + te
    # LayerNorm over last dim with elementwise affine
    mean = jnp.mean(embeding, axis=-1, keepdims=True)
    var = jnp.mean((embeding - mean) ** 2, axis=-1, keepdims=True)
    embeding = (embeding - mean) / jnp.sqrt(var + EPS)
    embeding = embeding * gamma + beta
    # dropout is identity in eval mode
    return embeding

if __name__ == "__main__":
    import jax
    _d = setup_inputs()
    print(jax.jit(kernel)(*tuple(_d.values())))

</pallas_src>

<mosaic_0001>
#map = affine_map<(d0, d1) -> (0)>
#map1 = affine_map<(d0, d1) -> (0, 0)>
module attributes {stable_mosaic.version = 14 : i64} {
  func.func @_gather_body(%arg0: i32, %arg1: i32, %arg2: memref<512xi32, #tpu.memory_space<hbm>>, %arg3: memref<100000x768xf32, #tpu.memory_space<hbm>>, %arg4: memref<512x768xf32, #tpu.memory_space<hbm>>, %arg5: memref<16xi32, #tpu.memory_space<vmem>>, %arg6: memref<16x768xf32, #tpu.memory_space<vmem>>, %arg7: memref<!tpu.dma_semaphore, #tpu.memory_space<semaphore_mem>>) attributes {dimension_semantics = [#tpu.dimension_semantics<core_parallel>, #tpu.dimension_semantics<subcore_parallel>], iteration_bounds = array<i64: 2, 16>, scalar_prefetch = 0 : i64, scratch_operands = 3 : i64, tpu.core_type = #tpu.core_type<sc_vector_subcore>, window_params = [{transform_indices = #map}, {transform_indices = #map1}, {transform_indices = #map1}]} {
    %mul3A = arith.constant 2 : i32
    %mul3A_0 = arith.muli %arg1, %mul3A : i32
    %add3A = arith.addi %mul3A_0, %arg0 : i32
    %mul3A_1 = arith.constant 16 : i32
    %mul3A_2 = arith.muli %add3A, %mul3A_1 : i32
    "tpu.region"() ({
      %run_scoped3A = tpu.sem_alloc : memref<!tpu.dma_semaphore, #tpu.memory_space<semaphore_mem>>
      %dma_start3A_7 = tpu.memref_slice %arg2[%mul3A_2] : memref<512xi32, #tpu.memory_space<hbm>> -> memref<16xi32, #tpu.memory_space<hbm>>
      %dma_start3A_8 = tpu.memref_slice %arg2[%mul3A_2] : memref<512xi32, #tpu.memory_space<hbm>> -> memref<16xi32, #tpu.memory_space<hbm>>
      tpu.enqueue_dma source(%dma_start3A_8 : memref<16xi32, #tpu.memory_space<hbm>>) target(%arg5 : memref<16xi32, #tpu.memory_space<vmem>>) target_semaphore(%run_scoped3A : memref<!tpu.dma_semaphore, #tpu.memory_space<semaphore_mem>>)
      %dma_wait3A_9 = tpu.memref_slice %arg2[%mul3A_2] : memref<512xi32, #tpu.memory_space<hbm>> -> memref<16xi32, #tpu.memory_space<hbm>>
      %dma_wait3A_10 = tpu.memref_slice %arg2[%mul3A_2] : memref<512xi32, #tpu.memory_space<hbm>> -> memref<16xi32, #tpu.memory_space<hbm>>
      tpu.wait_dma2 semaphore(%run_scoped3A : memref<!tpu.dma_semaphore, #tpu.memory_space<semaphore_mem>>) src(%dma_wait3A_10 : memref<16xi32, #tpu.memory_space<hbm>>) dst(%arg5 : memref<16xi32, #tpu.memory_space<vmem>>)
      tpu.yield
    }) : () -> ()
    %dma_start3A = arith.constant 0 : i32
    %dma_start3A_3 = arith.constant 0 : i32
    %dma_start3A_4 = tpu.memref_slice %arg3[%dma_start3A, %dma_start3A_3] : memref<100000x768xf32, #tpu.memory_space<hbm>> -> memref<100000x768xf32, #tpu.memory_space<hbm>>
    tpu.enqueue_indirect_dma source(%dma_start3A_4 : memref<100000x768xf32, #tpu.memory_space<hbm>>) target(%arg6 : memref<16x768xf32, #tpu.memory_space<vmem>>) offsets(%arg5 : memref<16xi32, #tpu.memory_space<vmem>>) semaphore(%arg7 : memref<!tpu.dma_semaphore, #tpu.memory_space<semaphore_mem>>)
    %dma_wait3A = arith.constant 0 : i32
    %dma_wait3A_5 = arith.constant 0 : i32
    %dma_wait3A_6 = tpu.memref_slice %arg3[%dma_wait3A, %dma_wait3A_5] : memref<100000x768xf32, #tpu.memory_space<hbm>> -> memref<100000x768xf32, #tpu.memory_space<hbm>>
    tpu.wait_indirect_dma semaphore(%arg7 : memref<!tpu.dma_semaphore, #tpu.memory_space<semaphore_mem>>) src(%dma_wait3A_6 : memref<100000x768xf32, #tpu.memory_space<hbm>>) dst(%arg6 : memref<16x768xf32, #tpu.memory_space<vmem>>)
    "tpu.region"() ({
      %run_scoped3A = tpu.sem_alloc : memref<!tpu.dma_semaphore, #tpu.memory_space<semaphore_mem>>
      %dma_start3A_7 = arith.constant 0 : i32
      %dma_start3A_8 = tpu.memref_slice %arg4[%mul3A_2, %dma_start3A_7] : memref<512x768xf32, #tpu.memory_space<hbm>> -> memref<16x768xf32, #tpu.memory_space<hbm>>
      %dma_start3A_9 = arith.constant 0 : i32
      %dma_start3A_10 = tpu.memref_slice %arg4[%mul3A_2, %dma_start3A_9] : memref<512x768xf32, #tpu.memory_space<hbm>> -> memref<16x768xf32, #tpu.memory_space<hbm>>
      tpu.enqueue_dma source(%arg6 : memref<16x768xf32, #tpu.memory_space<vmem>>) target(%dma_start3A_10 : memref<16x768xf32, #tpu.memory_space<hbm>>) target_semaphore(%run_scoped3A : memref<!tpu.dma_semaphore, #tpu.memory_space<semaphore_mem>>)
      %dma_wait3A_11 = arith.constant 0 : i32
      %dma_wait3A_12 = tpu.memref_slice %arg4[%mul3A_2, %dma_wait3A_11] : memref<512x768xf32, #tpu.memory_space<hbm>> -> memref<16x768xf32, #tpu.memory_space<hbm>>
      %dma_wait3A_13 = arith.constant 0 : i32
      %dma_wait3A_14 = tpu.memref_slice %arg4[%mul3A_2, %dma_wait3A_13] : memref<512x768xf32, #tpu.memory_space<hbm>> -> memref<16x768xf32, #tpu.memory_space<hbm>>
      tpu.wait_dma2 semaphore(%run_scoped3A : memref<!tpu.dma_semaphore, #tpu.memory_space<semaphore_mem>>) src(%arg6 : memref<16x768xf32, #tpu.memory_space<vmem>>) dst(%dma_wait3A_14 : memref<16x768xf32, #tpu.memory_space<hbm>>)
      tpu.yield
    }) : () -> ()
    return
  }
}

module attributes {stable_mosaic.version = 14 : i64} {
  func.func @_ln_body(%arg0: i32, %arg1: memref<256x768xf32, #tpu.memory_space<vmem>>, %arg2: memref<256x768xf32, #tpu.memory_space<vmem>>, %arg3: memref<2x768xf32, #tpu.memory_space<vmem>>, %arg4: memref<768xf32, #tpu.memory_space<vmem>>, %arg5: memref<768xf32, #tpu.memory_space<vmem>>, %arg6: memref<256x768xf32, #tpu.memory_space<vmem>>) attributes {dimension_semantics = [#tpu.dimension_semantics<arbitrary>], iteration_bounds = array<i64: 2>, scalar_prefetch = 0 : i64, scratch_operands = 0 : i64, tpu.core_type = #tpu.core_type<tc>, window_params = [{transform_indices = @transform_0, window_bounds = array<i64: 256, 768>}, {transform_indices = @transform_1, window_bounds = array<i64: 256, 768>}, {pipeline_mode = #tpu.pipeline_mode<synchronous>, transform_indices = @transform_2, window_bounds = array<i64: 2, 768>}, {pipeline_mode = #tpu.pipeline_mode<synchronous>, transform_indices = @transform_3, window_bounds = array<i64: 768>}, {pipeline_mode = #tpu.pipeline_mode<synchronous>, transform_indices = @transform_4, window_bounds = array<i64: 768>}, {transform_indices = @transform_5, window_bounds = array<i64: 256, 768>}]} {
    %get3A = arith.constant 0 : index
    %get3A_0 = arith.constant 0 : index
    %get3A_1 = vector.load %arg1[%get3A, %get3A_0] : memref<256x768xf32, #tpu.memory_space<vmem>>, vector<256x768xf32>
    %get3A_2 = arith.constant 0 : index
    %get3A_3 = arith.constant 0 : index
    %get3A_4 = vector.load %arg2[%get3A_2, %get3A_3] : memref<256x768xf32, #tpu.memory_space<vmem>>, vector<256x768xf32>
    %add3A = arith.addf %get3A_1, %get3A_4 : vector<256x768xf32>
    %get3A_5 = arith.constant 0 : index
    %get3A_6 = arith.constant 0 : index
    %get3A_7 = vector.load %arg3[%get3A_5, %get3A_6] : memref<2x768xf32, #tpu.memory_space<vmem>>, vector<1x768xf32>
    %add3A_8 = vector.broadcast %get3A_7 : vector<1x768xf32> to vector<256x768xf32>
    %add3A_9 = arith.addf %add3A, %add3A_8 : vector<256x768xf32>
    %reduce_sum3A = arith.constant dense<0.000000e+00> : vector<256xf32>
    %reduce_sum3A_10 = vector.multi_reduction <add>, %add3A_9, %reduce_sum3A [1] : vector<256x768xf32> to vector<256xf32>
    %broadcast_in_dim3A = vector.shape_cast %reduce_sum3A_10 : vector<256xf32> to vector<256x1xf32>
    %div3A = arith.constant 7.680000e+02 : f32
    %div3A_11 = vector.broadcast %div3A : f32 to vector<256x1xf32>
    %div3A_12 = arith.divf %broadcast_in_dim3A, %div3A_11 : vector<256x1xf32>
    %sub3A = vector.broadcast %div3A_12 : vector<256x1xf32> to vector<256x768xf32>
    %sub3A_13 = arith.subf %add3A_9, %sub3A : vector<256x768xf32>
    %mul3A = arith.mulf %sub3A_13, %sub3A_13 : vector<256x768xf32>
    %reduce_sum3A_14 = arith.constant dense<0.000000e+00> : vector<256xf32>
    %reduce_sum3A_15 = vector.multi_reduction <add>, %mul3A, %reduce_sum3A_14 [1] : vector<256x768xf32> to vector<256xf32>
    %broadcast_in_dim3A_16 = vector.shape_cast %reduce_sum3A_15 : vector<256xf32> to vector<256x1xf32>
    %div3A_17 = arith.constant 7.680000e+02 : f32
    %div3A_18 = vector.broadcast %div3A_17 : f32 to vector<256x1xf32>
    %div3A_19 = arith.divf %broadcast_in_dim3A_16, %div3A_18 : vector<256x1xf32>
    %add3A_20 = arith.constant 9.99999996E-13 : f32
    %add3A_21 = vector.broadcast %add3A_20 : f32 to vector<256x1xf32>
    %add3A_22 = arith.addf %div3A_19, %add3A_21 : vector<256x1xf32>
    %rsqrt3A = math.rsqrt %add3A_22 : vector<256x1xf32>
    %mul3A_23 = vector.broadcast %rsqrt3A : vector<256x1xf32> to vector<256x768xf32>
    %mul3A_24 = arith.mulf %sub3A_13, %mul3A_23 : vector<256x768xf32>
    %get3A_25 = arith.constant 0 : index
    %get3A_26 = vector.load %arg4[%get3A_25] : memref<768xf32, #tpu.memory_space<vmem>>, vector<768xf32>
    %broadcast_in_dim3A_27 = vector.shape_cast %get3A_26 : vector<768xf32> to vector<1x768xf32>
    %mul3A_28 = vector.broadcast %broadcast_in_dim3A_27 : vector<1x768xf32> to vector<256x768xf32>
    %mul3A_29 = arith.mulf %mul3A_24, %mul3A_28 : vector<256x768xf32>
    %get3A_30 = arith.constant 0 : index
    %get3A_31 = vector.load %arg5[%get3A_30] : memref<768xf32, #tpu.memory_space<vmem>>, vector<768xf32>
    %broadcast_in_dim3A_32 = vector.shape_cast %get3A_31 : vector<768xf32> to vector<1x768xf32>
    %add3A_33 = vector.broadcast %broadcast_in_dim3A_32 : vector<1x768xf32> to vector<256x768xf32>
    %add3A_34 = arith.addf %mul3A_29, %add3A_33 : vector<256x768xf32>
    %swap3A = arith.constant 0 : index
    %swap3A_35 = arith.constant 0 : index
    %swap3A_36 = vector.load %arg6[%swap3A, %swap3A_35] : memref<256x768xf32, #tpu.memory_space<vmem>>, vector<256x768xf32>
    tpu.vector_store %arg6[%swap3A, %swap3A_35], %add3A_34 {strides = array<i32>} : memref<256x768xf32, #tpu.memory_space<vmem>>, vector<256x768xf32>,
    return
  }
  func.func @transform_0(%arg0: i32) -> (i32, i32) {
    %c0_i32 = arith.constant 0 : i32
    %c0_i32_0 = arith.constant 0 : i32
    return %arg0, %c0_i32 : i32, i32
  }
  func.func @transform_1(%arg0: i32) -> (i32, i32) {
    %c0_i32 = arith.constant 0 : i32
    %c0_i32_0 = arith.constant 0 : i32
    return %arg0, %c0_i32 : i32, i32
  }
  func.func @transform_2(%arg0: i32) -> (i32, i32) {
    %c0_i32 = arith.constant 0 : i32
    %c0_i32_0 = arith.constant 0 : i32
    %c0_i32_1 = arith.constant 0 : i32
    return %c0_i32, %c0_i32_0 : i32, i32
  }
  func.func @transform_3(%arg0: i32) -> i32 {
    %c0_i32 = arith.constant 0 : i32
    %c0_i32_0 = arith.constant 0 : i32
    return %c0_i32 : i32
  }
  func.func @transform_4(%arg0: i32) -> i32 {
    %c0_i32 = arith.constant 0 : i32
    %c0_i32_0 = arith.constant 0 : i32
    return %c0_i32 : i32
  }
  func.func @transform_5(%arg0: i32) -> (i32, i32) {
    %c0_i32 = arith.constant 0 : i32
    %c0_i32_0 = arith.constant 0 : i32
    return %arg0, %c0_i32 : i32, i32
  }
}

</mosaic_0001>

<sc_bundles>
// kernel: _run.4.cloned.1.call-start
scs
__scs_entry_jumppad:
0x0: {  	(pc) =	sbr.rel $0x88, $3  }
0x1: {  	(tag) =	ssettag $0x0;
	lr =	simm.s32 $0x1  }
0x2: {  	[smem:$0x3F9B] =	sst lr;
	_ =	strace $0xD0000000  }
0x3: {  	_ = 	snop  }
0x4: {  	_ = 	snop  }
0x5: {  	_ = 	snop  }
0x6: {  	_ = 	snop  }
0x7: {  	_ = 	snop  }
__scs_overlays_trampoline_lowered:
0x8: {  	[smem:$0x3FAA] =	sst s0  }
0x9: {  	[smem:$0x3FAB] =	sst s1  }
0xa: {  	[smem:$0x3FAC] =	sst s2  }
0xb: {  	[smem:$0x3FAD] =	sst s3  }
0xc: {  	[smem:$0x3FAE] =	sst s4  }
0xd: {  	[smem:$0x3FAF] =	sst s5  }
0xe: {  	[smem:$0x3FB0] =	sst s6  }
0xf: {  	[smem:$0x3FB1] =	sst s7  }
0x10: {  	[smem:$0x3FB2] =	sst s8  }
0x11: {  	[smem:$0x3FB3] =	sst s9;
	s0 =	simm.s32 @!p0 $0x0  }
0x12: {  	s1 =	sld [smem:$0x3F99];
	s0 =	simm.s32 @p0 $0x1  }
0x13: {  	[smem:$0x3FB4] =	sst s0;
	s0 =	simm.s32 @!p1 $0x0  }
0x14: {  	s2 =	sld [smem:$0x3F98];
	s0 =	simm.s32 @p1 $0x1  }
0x15: {  	[smem:$0x3FB5] =	sst s0;
	s0 =	simm.s32 @!p2 $0x0  }
0x16: {  	s3 =	sld [smem:$0x3FDB];
	s0 =	simm.s32 @p2 $0x1  }
0x17: {  	s4 =	simm.s32 $0x1BF5;
	[smem:$0x3FB7] =	sst s0  }
0x18: {  	s0 =	sld [smem:$0x3F9A];
	_ =	swait.ge [sflag:s4], $0x0  }
0x19: {  	s7 =	sld [smem:$0x3F9B]  }
0x1a: {  	s8 =	sadd.s32 $0xFFFFE003, lr  }
0x1b: {  	s9 =	sadd.s32 $0xFFFFFEF7, lr;
	s5 =	simm.s32 $0xFFFFFFFF;
	p2 =	slt.u32 s8, $0xFFFFF086  }
0x1c: {  	p1 =	slt.u32 s9, $0xF7A;
	s5 =	simm.s32 @!p2 $0x0  }
0x1d: {  	s5 =	simm.s32 @p1 $0x1;
	p0 =	seq.s32 s7, s2  }
0x1e: {  	s7 =	smul.u32 @!p0 $0xF7A, s2;
	p2 =	seq.s32 @!p0 s5, $0x0  }
0x1f: {  	s9 =	smul.u32 $0xF7A, s1;
	s8 =	simm.s32 @!p0 $0x1BF5;
	p2 =	por !p2, p0  }
0x20: {  	[sflag:s8] =	ssyncset.s32 @!p0 $0xFFFFF086;
	s6 =	sadd.s32 @!p0 s3, s7;
	s7 =	simm.s32 @!p0 $0x108  }
0x21: {  	s3 =	sadd.s32 s3, s9;
	s6 =	sadd.s32 @!p0 $0x88, s6;
	s7 =	simm.s32 @p2 $0x1082  }
0x22: {  	[simem:s7], [sflag:s8] =	dma.local @!p0 [hbm:s6], $0xF7A  }
0x23: {  	s9 =	sor.u32 $0xD0000000, s2;
	s6 =	simm.s32 $0x108;
	_ =	swait.ge @!p0 [sflag:s8], $0x0  }
0x24: {  	s3 =	sadd.s32 $0x88, s3;
	s6 =	simm.s32 @!p1 $0x1082;
	[sflag:s4] =	ssyncset.s32 $0xFFFFF086  }
0x25: {  	[simem:s6], [sflag:s4] =	dma.local [hbm:s3], $0xF7A  }
0x26: {  	[smem:$0x3F9B] =	sst s1;
	(tag) =	ssettag s2;
	_ =	strace s9  }
0x27: {  	s1 =	sld [smem:$0x3FAB]  }
0x28: {  	s2 =	sld [smem:$0x3FAC]  }
0x29: {  	s4 =	sld [smem:$0x3FAE]  }
0x2a: {  	p0 =	seq.s32 s5, $0x0;
	s5 =	sld [smem:$0x3FAF]  }
0x2b: {  	s6 =	sld [smem:$0x3FB0]  }
0x2c: {  	s7 =	sld [smem:$0x3FB1]  }
0x2d: {  	s3 =	simm.s32 $0x108;
	s8 =	sld [smem:$0x3FB2]  }
0x2e: {  	s3 =	simm.s32 @!p0 $0x1082;
	s9 =	sld [smem:$0x3FB3]  }
0x2f: {  	lr =	sadd.s32 s0, s3;
	s0 =	sld [smem:$0x3FAA]  }
0x30: {  	s3 =	sld [smem:$0x3FAD]  }
0x31: {  	[smem:$0x3FB6] =	sst s10  }
0x32: {  	s10 =	sld [smem:$0x3FB4];
	_ =	sdelay $0x3  }
0x33: {  	p0 =	seq.s32 s10, $0x1;
	s10 =	sld [smem:$0x3FB6];
	_ =	sdelay $0x3  }
0x34: {  	[smem:$0x3FB6] =	sst s10  }
0x35: {  	s10 =	sld [smem:$0x3FB5];
	_ =	sdelay $0x3  }
0x36: {  	p1 =	seq.s32 s10, $0x1;
	s10 =	sld [smem:$0x3FB6];
	_ =	sdelay $0x3  }
0x37: {  	[smem:$0x3FB6] =	sst s10  }
0x38: {  	s10 =	sld [smem:$0x3FB7]  }
0x39: {  	_ = 	snop;
	(pc) =	sbr.ind lr, $3  }
0x3a: {  	_ = 	snop  }
0x3b: {  	_ = 	snop  }
0x3c: {  	p2 =	seq.s32 s10, $0x1;
	s10 =	sld [smem:$0x3FB6]  }
0x3d: {  	_ =	shalt  }
0x3e: {  	_ =	shalt  }
0x3f: {  	_ =	shalt  }
0x40: {  	_ =	shalt  }
0x41: {  	_ =	shalt  }
0x42: {  	_ =	shalt  }
0x43: {  	_ =	shalt  }
0x44: {  	_ =	shalt  }
0x45: {  	_ =	shalt  }
0x46: {  	_ =	shalt  }
0x47: {  	_ =	shalt  }
0x48: {  	_ =	shalt  }
0x49: {  	_ =	shalt  }
0x4a: {  	_ =	shalt  }
0x4b: {  	_ =	shalt  }
0x4c: {  	_ =	shalt  }
0x4d: {  	_ =	shalt  }
0x4e: {  	_ =	shalt  }
0x4f: {  	_ =	shalt  }
0x50: {  	_ =	shalt  }
0x51: {  	_ =	shalt  }
0x52: {  	_ =	shalt  }
0x53: {  	_ =	shalt  }
0x54: {  	_ =	shalt  }
0x55: {  	_ =	shalt  }
0x56: {  	_ =	shalt  }
0x57: {  	_ =	shalt  }
0x58: {  	_ =	shalt  }
0x59: {  	_ =	shalt  }
0x5a: {  	_ =	shalt  }
0x5b: {  	_ =	shalt  }
0x5c: {  	_ =	shalt  }
0x5d: {  	_ =	shalt  }
0x5e: {  	_ =	shalt  }
0x5f: {  	_ =	shalt  }
0x60: {  	_ =	shalt  }
0x61: {  	_ =	shalt  }
0x62: {  	_ =	shalt  }
0x63: {  	_ =	shalt  }
0x64: {  	_ =	shalt  }
0x65: {  	_ =	shalt  }
0x66: {  	_ =	shalt  }
0x67: {  	_ =	shalt  }
0x68: {  	_ =	shalt  }
0x69: {  	_ =	shalt  }
0x6a: {  	_ =	shalt  }
0x6b: {  	_ =	shalt  }
0x6c: {  	_ =	shalt  }
0x6d: {  	_ =	shalt  }
0x6e: {  	_ =	shalt  }
0x6f: {  	_ =	shalt  }
0x70: {  	_ =	shalt  }
0x71: {  	_ =	shalt  }
0x72: {  	_ =	shalt  }
0x73: {  	_ =	shalt  }
0x74: {  	_ =	shalt  }
0x75: {  	_ =	shalt  }
0x76: {  	_ =	shalt  }
0x77: {  	_ =	shalt  }
0x78: {  	_ =	shalt  }
0x79: {  	_ =	shalt  }
0x7a: {  	_ =	shalt  }
0x7b: {  	_ =	shalt  }
0x7c: {  	_ =	shalt  }
0x7d: {  	_ =	shalt  }
0x7e: {  	_ =	shalt  }
0x7f: {  	_ =	shalt  }
0x80: {  	_ =	shalt  }
0x81: {  	_ =	shalt  }
0x82: {  	_ =	shalt  }
0x83: {  	_ =	shalt  }
0x84: {  	_ =	shalt  }
0x85: {  	_ =	shalt  }
0x86: {  	_ =	shalt  }
0x87: {  	_ =	shalt  }
.Lfunc_end0:
.L_simem_size_0:
called_computation_lowered:
.L_overlay_start_0:
0x88: {  	s2 =	sld [smem:$0x3FD9]  }
0x89: {  	s3 =	sld [smem:$0x3FFE];
	_ =	sdelay $0x1  }
0x8a: {  	s1 =	srdreg.scid  }
0x8b: {  	s0 =	sand.u32 $0x1, s1  }
0x8c: {  	s18 =	sshll.u32 s0, $0xA;
	s2 =	sadd.s32 s3, s2  }
0x8d: {  	s2 =	sadd.s32 s2, s18  }
0x8e: {  	[smem:$0x3FC2] =	sst s2  }
0x8f: {  	_ = 	snop  }
0x90: {  	s2 =	sld [smem:$0x3FC9]  }
0x91: {  	s19 =	sld [smem:$0x3FC8]  }
0x92: {  	s4 =	sld [smem:$0x3FD0];
	(tm) =	ssettm $0x1  }
0x93: {  	s5 =	sld [smem:$0x3FFB];
	_ =	sdelay $0x3  }
0x94: {  	_ =	strace s5  }
0x95: {  	s5 =	sld [smem:$0x3FFC];
	_ =	sdelay $0x3  }
0x96: {  	_ =	strace s5  }
0x97: {  	s5 =	sld [smem:$0x3FFD];
	_ =	sdelay $0x3  }
0x98: {  	_ =	strace s5  }
0x99: {  	_ =	strace $0x8FFFFFFF  }
0x9a: {  	s20 =	sld [smem:$0x3FDB];
	_ =	sdelay $0x1  }
0x9b: {  	s6 =	simm.s32 $_scs_section_size  }
0x9c: {  	s7 =	simm.s32 $_size__tile_overlayer_lowered;
	s8 =	simm.s32 $_tile_overlayer_lowered  }
0x9d: {  	s23 =	simm.s32 $0x1BFF;
	s22 =	sshll.u32 s8, $0x1;
	s5 =	sadd.s32 s6, s20  }
0x9e: {  	s9 =	simm.s32 $0x0;
	s21 =	sshll.u32 s7, $0x1;
	s7 =	sadd.s32 s22, s5  }
0x9f: {  	[timem:s9], [sflag:s23] =	dma.local [hbm:s7], s21  }
0xa0: {  	_ =	swait.ge [sflag:s23], s21  }
0xa1: {  	s6 =	ssub.s32 $0x0, s21;
	[sflag:s23] =	ssyncset.done $0x0  }
0xa2: {  	[sflag:s23] =	ssyncadd.s32 s6;
	_ =	sdelay $0x1  }
0xa3: {  	s24 =	simm.s32 $0x1B8B  }
0xa4: {  	_ =	swait.ge [sflag:s24], $0x1  }
0xa5: {  	[sflag:s24] =	ssyncset.done $0x0  }
0xa6: {  	s25 =	simm.s32 $0x1B8E;
	[sflag:s24] =	ssyncadd.s32 $0xFFFFFFFF  }
0xa7: {  	s26 =	simm.s32 $execute0_lowered;
	[smem:$0x3FD2] =	sst s25  }
0xa8: {  	s6 =	sshll.u32 s26, $0x1;
	_ =	strace $0x80000046;
	[dreg:$0x1] =	wrdreg $0xFFFFFFFF  }
0xa9: {  	s28 =	simm.s32 $_size_execute0_lowered;
	s5 =	sadd.s32 s5, s6;
	[dreg:$0x0] =	wrdreg $0x0  }
0xaa: {  	s6 =	sshll.u32 s28, $0x1;
	[dreg:$0x2] =	wrdreg s5  }
0xab: {  	[dreg:$0x3] =	wrdreg s6  }
0xac: {  	[dreg:$0x4] =	wrdreg $0xC0  }
0xad: {  	_ =	task [dreg:s9], $0x5FFFF  }
0xae: {  	[dreg:$0x1] =	wrdreg $0xFFFFFFFF  }
0xaf: {  	[dreg:$0x0] =	wrdreg $0x60  }
0xb0: {  	[dreg:$0x2] =	wrdreg s2  }
0xb1: {  	[dreg:$0x3] =	wrdreg s19  }
0xb2: {  	[dreg:$0x4] =	wrdreg s4  }
0xb3: {  	[dreg:$0x5] =	wrdreg $0x9  }
0xb4: {  	_ =	task.clear_ibuf [dreg:s9], $0x6FFFF;
	_ =	strace $0x90000046  }
0xb5: {  	s29 =	simm.s32 $0x9;
	_ =	strace $0x80000048  }
0xb6: {  	_ =	swait.ge [sflag:s29], $0x1  }
0xb7: {  	[sflag:s29] =	ssyncadd.s32 $0xFFFFFFFF  }
0xb8: {  	_ =	strace $0x90000048  }
0xb9: {  	_ =	sfence  }
0xba: {  	s30 =	sld [smem:$0x0];
	_ =	sdelay $0x2  }
0xbb: {  	s31 =	sshll.u32 s1, $0xD;
	s1 =	sshrl.u32 s1, $0x2  }
0xbc: {  	s3 =	sand.u32 $0x4000, s31;
	s1 =	sadd.s32 s1, s30  }
0xbd: {  	s0 =	sor.u32 s3, s0;
	s1 =	sshll.u32 s1, $0x11  }
0xbe: {  	s0 =	sor.u32 s1, s0  }
0xbf: {  	s0 =	sadd.s32 $0x8F2B, s0  }
0xc0: {  	[sflag:s0] =	ssyncadd.remote.s32 $0x1  }
0xc1: {  	_ =	sfence.sel $0xFFFF  }
0xc2: {  	[dreg:$0x0] =	wrdreg $0xFFFFFFFF;
	(pc) =	sbr.abs _section_cstart, $3  }
0xc3: {  	[dreg:$0x1] =	wrdreg $0xFFFFFFFF  }
0xc4: {  	_ =	task.clear_ibuf [dreg:s9], $0x2FFFF;
	_ =	strace $0x9FFFFFFF  }
0xc5: {  	(tm) =	ssettm $0x7FFFFFFF  }
tec
execute0_lowered:
.L_overlay_start_1:
0x0: {  	(tag) =	ssettag $0x1  }
0x1: {  	s4 =	rddreg [dreg:$0x0]  }
0x2: {  	s2 =	rddreg [dreg:$0x1]  }
0x3: {  	s15 =	rddreg [dreg:$0x2];
	s3 =	srdreg.scid  }
0x4: {  	s0 =	rddreg [dreg:$0x3];
	s1 =	stileid.u32;
	s13 =	sand.u32 $0x1, s3  }
0x5: {  	s3 =	simm.s32 $0x0;
	s5 =	sshll.u32 s1, $0x2;
	s6 =	sshll.u32 s13, $0x1  }
0x6: {  	[smem:$0x7FF] =	sst s3;
	s16 =	sor.u32 s6, s5  }
0x7: {  	_ =	strace $0x80000047;
	s5 =	sadd.s32 s4, s16;
	s4 =	simm.s32 $0x2  }
0x8: {  	[tilespmem:s3], [sflag:$0x2] =	stream.linear.gather [hbm4b:s5+s3], $0x10, $0x38;
	[tilespmem:$0x3080] =	vst v63  }
0x9: {  	_ =	swait.ge [sflag:s4], $0x10  }
0xa: {  	[sflag:s4] =	ssyncset.done $0x0  }
0xb: {  	[sflag:s4] =	ssyncadd.s32 $0xFFFFFFF0  }
0xc: {  	v0 =	vld [tilespmem:$0x0];
	_ =	sdelay $0x4  }
0xd: {  	v1 =	vshrl.u32 v0, $0x3  }
0xe: {  	v1 =	vmul.u32 $0x30, v1  }
0xf: {  	v2 =	vlaneseq.u32;
	v3 =	vand.u32 $0x7, v0  }
0x10: {  	v4 =	vshrl.u32 v2, $0x3;
	v0 =	vand.u32 $0x7, v2;
	v3 =	vor.u32 v3, v1  }
0x11: {  	v1 =	vmul.u32 $0x8, v4;
	v63 =	vperm.xlane v3, v0;
	_ =	sdelay $0x1  }
0x12: {  	v4 =	vadd.s32 v1, v63;
	_ =	sdelay $0x2  }
0x13: {  	v2 =	vor.u32 $0x8, v2  }
0x14: {  	vm0 =	vmmov $0xffff;
	s6 =	simm.s32 $0x80;
	v3 =	vperm.xlane v3, v2  }
0x15: {  	[tilespmem:s6], [sflag:$0x1] =	stream.indirect_vreg.gather [hbm4b:s2+s3], $0x80, v4, vm0, $0xb8;
	[tilespmem:$0x3080] =	vst v63  }
0x16: {  	s8 =	simm.s32 $0x880;
	s7 =	sadd.s32 $0x100, s2;
	v3 =	vadd.s32 v1, v3  }
0x17: {  	[tilespmem:s8], [sflag:$0x1] =	stream.indirect_vreg.gather [hbm4b:s7+s3], $0x80, v4, vm0, $0xb8;
	[tilespmem:$0x3080] =	vst v63  }
0x18: {  	s10 =	simm.s32 $0x1080;
	s9 =	sadd.s32 $0x200, s2;
	s17 =	ssub.s32 $0x2, s13  }
0x19: {  	[tilespmem:s10], [sflag:$0x1] =	stream.indirect_vreg.gather [hbm4b:s9+s3], $0x80, v4, vm0, $0xb8;
	[tilespmem:$0x3080] =	vst v63  }
0x1a: {  	s11 =	simm.s32 $0x1880;
	s18 =	sshrl.u32 s17, $0x1  }
0x1b: {  	[tilespmem:s11], [sflag:$0x1] =	stream.indirect_vreg.gather [hbm4b:s2+s3], $0x80, v3, vm0, $0xb8;
	[tilespmem:$0x3080] =	vst v63  }
0x1c: {  	s12 =	simm.s32 $0x2080;
	s17 =	ssub.s32 s17, s18  }
0x1d: {  	[tilespmem:s12], [sflag:$0x1] =	stream.indirect_vreg.gather [hbm4b:s7+s3], $0x80, v3, vm0, $0xb8;
	[tilespmem:$0x3080] =	vst v63  }
0x1e: {  	s14 =	simm.s32 $0x1;
	s13 =	simm.s32 $0x2880;
	s31 =	smax.u32 s17, $0x1  }
0x1f: {  	[tilespmem:s13], [sflag:$0x1] =	stream.indirect_vreg.gather [hbm4b:s9+s3], $0x80, v3, vm0, $0xb8;
	[tilespmem:$0x3080] =	vst v63  }
0x20: {  	s16 =	smul.u32 $0x300, s16;
	p0 =	sne.s32 s31, $0x1;
	_ =	swait.ge [sflag:s14], $0x3000  }
.Ltmp0:
0x21: {  	[sflag:s14] =	ssyncset.done $0x0;
	(pc) =	sbr.rel @!p0 .LBB2_2-.Ltmp0, $4  }
0x22: {  	s15 =	sadd.s32 s15, s16;
	[sflag:s14] =	ssyncadd.s32 $0xFFFFD000  }
0x23: {  	[hbm4b:s15+s3] =	stream.linear.scatter [tilespmem:s6], [sflag:$0x2], $0x3000, $0x38;
	[tilespmem:$0x3080] =	vst v63  }
0x24: {  	_ =	swait.ge [sflag:s4], $0x3000  }
0x25: {  	s16 =	sadd.s32 $0xFFFFFFFF, s31;
	[sflag:s4] =	ssyncset.done $0x0  }
.LBB2_1:
0x26: {  	p0 =	sne.s32 s16, $0x1;
	s16 =	sadd.s32 $0xFFFFFFFF, s16;
	[sflag:s4] =	ssyncadd.s32 $0xFFFFD000  }
0x27: {  	[tilespmem:s3], [sflag:$0x2] =	stream.linear.gather [hbm4b:s5+s3], $0x10, $0x38;
	[tilespmem:$0x3080] =	vst v63  }
0x28: {  	_ =	swait.ge [sflag:s4], $0x10  }
0x29: {  	[sflag:s4] =	ssyncset.done $0x0  }
0x2a: {  	[sflag:s4] =	ssyncadd.s32 $0xFFFFFFF0  }
0x2b: {  	v3 =	vld [tilespmem:$0x0];
	_ =	sdelay $0x4  }
0x2c: {  	v4 =	vshrl.u32 v3, $0x3  }
0x2d: {  	v4 =	vmul.u32 $0x30, v4  }
0x2e: {  	v3 =	vand.u32 $0x7, v3  }
0x2f: {  	v3 =	vor.u32 v3, v4  }
0x30: {  	v4 =	vperm.xlane v3, v0;
	v3 =	vperm.xlane v3, v2;
	_ =	sdelay $0x1  }
0x31: {  	v4 =	vadd.s32 v1, v4;
	_ =	sdelay $0x4  }
0x32: {  	[tilespmem:s6], [sflag:$0x1] =	stream.indirect_vreg.gather [hbm4b:s2+s3], $0x80, v4, vm0, $0xb8;
	[tilespmem:$0x3080] =	vst v63  }
0x33: {  	v3 =	vadd.s32 v1, v3  }
0x34: {  	[tilespmem:s8], [sflag:$0x1] =	stream.indirect_vreg.gather [hbm4b:s7+s3], $0x80, v4, vm0, $0xb8;
	[tilespmem:$0x3080] =	vst v63  }
0x35: {  	_ = 	snop  }
0x36: {  	[tilespmem:s10], [sflag:$0x1] =	stream.indirect_vreg.gather [hbm4b:s9+s3], $0x80, v4, vm0, $0xb8;
	[tilespmem:$0x3080] =	vst v63  }
0x37: {  	_ = 	snop  }
0x38: {  	[tilespmem:s11], [sflag:$0x1] =	stream.indirect_vreg.gather [hbm4b:s2+s3], $0x80, v3, vm0, $0xb8;
	[tilespmem:$0x3080] =	vst v63  }
0x39: {  	_ = 	snop  }
0x3a: {  	[tilespmem:s12], [sflag:$0x1] =	stream.indirect_vreg.gather [hbm4b:s7+s3], $0x80, v3, vm0, $0xb8;
	[tilespmem:$0x3080] =	vst v63  }
0x3b: {  	_ = 	snop  }
0x3c: {  	[tilespmem:s13], [sflag:$0x1] =	stream.indirect_vreg.gather [hbm4b:s9+s3], $0x80, v3, vm0, $0xb8;
	[tilespmem:$0x3080] =	vst v63  }
0x3d: {  	_ =	swait.ge [sflag:s14], $0x3000  }
.Ltmp1:
0x3e: {  	[sflag:s14] =	ssyncset.done $0x0;
	(pc) =	sbr.rel @p0 .LBB2_1-.Ltmp1, $4  }
0x3f: {  	[sflag:s14] =	ssyncadd.s32 $0xFFFFD000  }
0x40: {  	[hbm4b:s15+s3] =	stream.linear.scatter [tilespmem:s6], [sflag:$0x2], $0x3000, $0x38;
	[tilespmem:$0x3080] =	vst v63  }
0x41: {  	_ =	swait.ge [sflag:s4], $0x3000  }
0x42: {  	[sflag:s4] =	ssyncset.done $0x0  }
.LBB2_2:
0x43: {  	[sflag:s4] =	ssyncadd.s32 $0xFFFFD000  }
0x44: {  	_ =	sfence.sel $0x180000  }
0x45: {  	[bflag:$0x0] =	sbarrier.arrive $0xFFFF  }
0x46: {  	p0 =	sne.s32 s1, $0x0;
	_ =	strace $0x90000047  }
0x47: {  	s0 =	sadd.s32 @!p0 $0x100000, s0;
	[bflag:$0x2] =	sbarrier.arrive $0xFFFF  }
0x48: {  	[sflag:s0] =	ssyncadd.tile.s32 @!p0 $0x1;
	_ =	shalt  }
.Lfunc_end2:
_tile_overlayer_lowered:
.L_overlay_start_2:
0x49: {  	(tag) =	ssettag $0x2  }
0x4a: {  	s0 =	rddreg [dreg:$0x0];
	s2 =	stileid.u32  }
0x4b: {  	s1 =	rddreg [dreg:$0x1];
	p0 =	sne.s32 s2, $0x0  }
0x4c: {  	s3 =	rddreg [dreg:$0x2];
	[bflag:$0x3] =	sbarrier.arrive $0xFFFF;
	s2 =	simm.s32 @!p0 $0x1C02  }
0x4d: {  	[timem:s3], [sflag:s2] =	dma.local @!p0 [hbm:s0], s1  }
0x4e: {  	s0 =	simm.s32 @!p0 $0x2  }
0x4f: {  	_ =	swait.ge @!p0 [sflag:s0], s1  }
0x50: {  	s1 =	ssub.s32 @!p0 $0x0, s1;
	[sflag:s0] =	ssyncset.done @!p0 $0x0  }
0x51: {  	[sflag:s0] =	ssyncadd.s32 @!p0 s1  }
0x52: {  	[bflag:$0x3] =	sbarrier.arrive $0xFFFF  }
0x53: {  	_ =	shalt  }

</sc_bundles>
